<compile_context>
chip_gen: v7x
topology: tpu7x:2x2x1
jax: 0.10.2.dev20260603
libtpu: 0.0.44.dev20260713+nightly
codegen_flags: <defaults>
</compile_context>

<pallas_src>
import jax
import jax.numpy as jnp
from jax.experimental import pallas as pl
from jax.experimental.pallas import tpu as pltpu

_N = 20000
_PRE = 6000
_POST = 300
_TH = 0.7
_T = 128
_NT = 48
_NPAD = _T * _NT


def _nms_body(ct_ref, out_ref, sup_ref):
    x1 = ct_ref[0:1, :]
    y1 = ct_ref[1:2, :]
    x2 = ct_ref[2:3, :]
    y2 = ct_ref[3:4, :]
    areas = (x2 - x1) * (y2 - y1)

    sup_ref[...] = jnp.zeros((1, _NPAD), jnp.float32)

    def tile_step(t, _):
        s = t * _T
        tile = ct_ref[:, pl.ds(s, _T)]
        tile_t = jnp.transpose(tile)
        tx1 = tile_t[:, 0:1]
        ty1 = tile_t[:, 1:2]
        tx2 = tile_t[:, 2:3]
        ty2 = tile_t[:, 3:4]

        xx1 = jnp.maximum(tx1, x1)
        yy1 = jnp.maximum(ty1, y1)
        xx2 = jnp.minimum(tx2, x2)
        yy2 = jnp.minimum(ty2, y2)
        inter = jnp.maximum(xx2 - xx1, 0.0) * jnp.maximum(yy2 - yy1, 0.0)
        t_area = (tx2 - tx1) * (ty2 - ty1)
        iou = inter / (t_area + areas - inter + 1e-9)
        m = jnp.where(iou > _TH, 1.0, 0.0)

        rx1 = tile[0:1, :]
        ry1 = tile[1:2, :]
        rx2 = tile[2:3, :]
        ry2 = tile[3:4, :]
        sxx1 = jnp.maximum(tx1, rx1)
        syy1 = jnp.maximum(ty1, ry1)
        sxx2 = jnp.minimum(tx2, rx2)
        syy2 = jnp.minimum(ty2, ry2)
        inter_s = jnp.maximum(sxx2 - sxx1, 0.0) * jnp.maximum(syy2 - syy1, 0.0)
        r_area = (rx2 - rx1) * (ry2 - ry1)
        iou_s = inter_s / (t_area + r_area - inter_s + 1e-9)
        row_i = jax.lax.broadcasted_iota(jnp.int32, (_T, _T), 0)
        col_j = jax.lax.broadcasted_iota(jnp.int32, (_T, _T), 1)
        s_mat = jnp.where((iou_s > _TH) & (row_i < col_j), 1.0, 0.0)

        alive = 1.0 - sup_ref[0:1, pl.ds(s, _T)]

        def cond(carry):
            return carry[1]

        def body(carry):
            k, _ = carry
            hit = jax.lax.dot_general(
                k, s_mat, (((1,), (0,)), ((), ())),
                preferred_element_type=jnp.float32)
            k_new = jnp.where(hit > 0.5, 0.0, alive)
            return k_new, jnp.any(k_new != k)

        k, _ = jax.lax.while_loop(cond, body, (alive, True))

        sc_tile = ct_ref[4:5, pl.ds(s, _T)]
        out_ref[0:1, pl.ds(s, _T)] = jnp.where(k > 0.5, sc_tile, -1e9)

        hit_all = jax.lax.dot_general(
            k, m, (((1,), (0,)), ((), ())),
            preferred_element_type=jnp.float32)
        sup_ref[...] = jnp.maximum(sup_ref[...], jnp.where(hit_all > 0.5, 1.0, 0.0))
        return 0

    jax.lax.fori_loop(0, _NT, tile_step, 0)


def _masked_scores(top_boxes, top_scores):
    ct = jnp.zeros((8, _NPAD), jnp.float32)
    ct = ct.at[0:4, :_PRE].set(top_boxes.T)
    ct = ct.at[4, :_PRE].set(top_scores)
    out = pl.pallas_call(
        _nms_body,
        out_shape=jax.ShapeDtypeStruct((1, _NPAD), jnp.float32),
        scratch_shapes=[pltpu.VMEM((1, _NPAD), jnp.float32)],
    )(ct)
    return out[0, :_PRE]


def kernel(boxes, scores):
    obj = jax.nn.softmax(scores, axis=1)[:, 1]
    top_scores, idx = jax.lax.top_k(obj, _PRE)
    top_boxes = jnp.take(boxes, idx, axis=0)
    masked = _masked_scores(top_boxes, top_scores)
    sel_scores, sel_idx = jax.lax.top_k(masked, _POST)
    sel_boxes = jnp.take(top_boxes, sel_idx, axis=0)
    return jnp.concatenate([sel_boxes, sel_scores[:, None]], axis=1)

# --- scband reference (transcript-rebuilt; emitter-appended) ---
"""Pipeline reference for scband-fpn-base-249108103704 (READ-ONLY COPY).

The authoritative reference and input builder live on the scoring server;
editing this copy changes nothing except your own understanding.
"""

import jax, jax.numpy as jnp
import numpy as np

N = 20000
PRE_NMS = 6000
POST_NMS = 300
IOU_THRESH = 0.7


def _iou_one_vs_all(box, boxes):
    x1 = jnp.maximum(box[0], boxes[:, 0])
    y1 = jnp.maximum(box[1], boxes[:, 1])
    x2 = jnp.minimum(box[2], boxes[:, 2])
    y2 = jnp.minimum(box[3], boxes[:, 3])
    inter = jnp.clip(x2 - x1, 0.0) * jnp.clip(y2 - y1, 0.0)
    area_a = (box[2] - box[0]) * (box[3] - box[1])
    areas = (boxes[:, 2] - boxes[:, 0]) * (boxes[:, 3] - boxes[:, 1])
    return inter / (area_a + areas - inter + 1e-9)


def _nms_keep(boxes, iou_thresh):
    n = boxes.shape[0]
    idxs = jnp.arange(n)

    def step(keep, i):
        iou = _iou_one_vs_all(boxes[i], boxes)
        suppress = (iou > iou_thresh) & (idxs > i) & keep[i]
        return keep & (~suppress), None

    keep, _ = jax.lax.scan(step, jnp.ones((n,), dtype=bool), idxs)
    return keep


def setup_inputs(seed: int = 0) -> dict:
    key = jax.random.key(seed)
    k1, k2 = jax.random.split(key)
    raw = jax.random.uniform(k1, (N, 4), dtype=jnp.float32) * 1024.0
    x1 = jnp.minimum(raw[:, 0], raw[:, 2])
    x2 = jnp.maximum(raw[:, 0], raw[:, 2]) + 1.0
    y1 = jnp.minimum(raw[:, 1], raw[:, 3])
    y2 = jnp.maximum(raw[:, 1], raw[:, 3]) + 1.0
    boxes = jnp.stack([x1, y1, x2, y2], axis=1)
    scores = jax.random.normal(k2, (N, 2), dtype=jnp.float32)
    return {"boxes": boxes, "scores": scores}


def reference(boxes, scores):
    # rpn_scores = softmax(logits)[:, 1]  (objectness probability)
    obj = jax.nn.softmax(scores, axis=1)[:, 1]
    # pre-NMS top-k (test-time: 6000)
    top_scores, idx = jax.lax.top_k(obj, PRE_NMS)
    top_boxes = jnp.take(boxes, idx, axis=0)
    # greedy NMS at IoU threshold 0.7
    keep = _nms_keep(top_boxes, IOU_THRESH)
    masked = jnp.where(keep, top_scores, -1e9)
    # post-NMS top-k (test-time: 300)
    sel_scores, sel_idx = jax.lax.top_k(masked, POST_NMS)
    sel_boxes = jnp.take(top_boxes, sel_idx, axis=0)
    return jnp.concatenate([sel_boxes, sel_scores[:, None]], axis=1)

if __name__ == "__main__":
    import jax
    _d = setup_inputs()
    print(jax.jit(kernel)(*tuple(_d.values())))

</pallas_src>

<mosaic_0001>
module attributes {stable_mosaic.version = 14 : i64} {
  func.func @_nms_body(%arg0: memref<8x6144xf32, #tpu.memory_space<vmem>>, %arg1: memref<1x6144xf32, #tpu.memory_space<vmem>>, %arg2: memref<1x6144xf32, #tpu.memory_space<vmem>>) attributes {dimension_semantics = [], scalar_prefetch = 0 : i64, scratch_operands = 1 : i64, tpu.core_type = #tpu.core_type<tc>} {
    %get3A = arith.constant 0 : index
    %get3A_0 = arith.constant 0 : index
    %get3A_1 = vector.load %arg0[%get3A, %get3A_0] : memref<8x6144xf32, #tpu.memory_space<vmem>>, vector<1x6144xf32>
    %get3A_2 = arith.constant 1 : index
    %get3A_3 = arith.constant 0 : index
    %get3A_4 = vector.load %arg0[%get3A_2, %get3A_3] : memref<8x6144xf32, #tpu.memory_space<vmem>>, vector<1x6144xf32>
    %get3A_5 = arith.constant 2 : index
    %get3A_6 = arith.constant 0 : index
    %get3A_7 = vector.load %arg0[%get3A_5, %get3A_6] : memref<8x6144xf32, #tpu.memory_space<vmem>>, vector<1x6144xf32>
    %get3A_8 = arith.constant 3 : index
    %get3A_9 = arith.constant 0 : index
    %get3A_10 = vector.load %arg0[%get3A_8, %get3A_9] : memref<8x6144xf32, #tpu.memory_space<vmem>>, vector<1x6144xf32>
    %sub3A = arith.subf %get3A_7, %get3A_1 : vector<1x6144xf32>
    %sub3A_11 = arith.subf %get3A_10, %get3A_4 : vector<1x6144xf32>
    %mul3A = arith.mulf %sub3A, %sub3A_11 : vector<1x6144xf32>
    %broadcast_in_dim3A = arith.constant 0.000000e+00 : f32
    %broadcast_in_dim3A_12 = vector.broadcast %broadcast_in_dim3A : f32 to vector<1x6144xf32>
    %swap3A = arith.constant 0 : index
    %swap3A_13 = arith.constant 0 : index
    %swap3A_14 = vector.load %arg2[%swap3A, %swap3A_13] : memref<1x6144xf32, #tpu.memory_space<vmem>>, vector<1x6144xf32>
    tpu.vector_store %arg2[%swap3A, %swap3A_13], %broadcast_in_dim3A_12 {strides = array<i32>} : memref<1x6144xf32, #tpu.memory_space<vmem>>, vector<1x6144xf32>,
    %scan3A = arith.constant 0 : i32
    %scan3A_15 = arith.constant 48 : i32
    %scan3A_16 = arith.addi %scan3A, %scan3A_15 : i32
    %scan3A_17 = arith.constant 1 : i32
    scf.for %scan3A_19 = %scan3A to %scan3A_16 step %scan3A_17  : i32 {
      %mul3A_20 = arith.constant 128 : i32
      %mul3A_21 = arith.muli %scan3A_19, %mul3A_20 : i32
      %get3A_22 = arith.constant 0 : index
      %get3A_23 = arith.index_cast %mul3A_21 : i32 to index
      %get3A_24 = vector.load %arg0[%get3A_22, %get3A_23] : memref<8x6144xf32, #tpu.memory_space<vmem>>, vector<8x128xf32>
      %transpose3A = tpu.transpose %get3A_24, [1, 0] : vector<8x128xf32> -> vector<128x8xf32>
      %slice3A = vector.extract_strided_slice %transpose3A {offsets = [0, 0], sizes = [128, 1], strides = [1, 1]} : vector<128x8xf32> to vector<128x1xf32>
      %slice3A_25 = vector.extract_strided_slice %transpose3A {offsets = [0, 1], sizes = [128, 1], strides = [1, 1]} : vector<128x8xf32> to vector<128x1xf32>
      %slice3A_26 = vector.extract_strided_slice %transpose3A {offsets = [0, 2], sizes = [128, 1], strides = [1, 1]} : vector<128x8xf32> to vector<128x1xf32>
      %slice3A_27 = vector.extract_strided_slice %transpose3A {offsets = [0, 3], sizes = [128, 1], strides = [1, 1]} : vector<128x8xf32> to vector<128x1xf32>
      %max3A = vector.broadcast %slice3A : vector<128x1xf32> to vector<128x6144xf32>
      %max3A_28 = vector.broadcast %get3A_1 : vector<1x6144xf32> to vector<128x6144xf32>
      %max3A_29 = arith.maximumf %max3A, %max3A_28 : vector<128x6144xf32>
      %max3A_30 = vector.broadcast %slice3A_25 : vector<128x1xf32> to vector<128x6144xf32>
      %max3A_31 = vector.broadcast %get3A_4 : vector<1x6144xf32> to vector<128x6144xf32>
      %max3A_32 = arith.maximumf %max3A_30, %max3A_31 : vector<128x6144xf32>
      %min3A = vector.broadcast %slice3A_26 : vector<128x1xf32> to vector<128x6144xf32>
      %min3A_33 = vector.broadcast %get3A_7 : vector<1x6144xf32> to vector<128x6144xf32>
      %min3A_34 = arith.minimumf %min3A, %min3A_33 : vector<128x6144xf32>
      %min3A_35 = vector.broadcast %slice3A_27 : vector<128x1xf32> to vector<128x6144xf32>
      %min3A_36 = vector.broadcast %get3A_10 : vector<1x6144xf32> to vector<128x6144xf32>
      %min3A_37 = arith.minimumf %min3A_35, %min3A_36 : vector<128x6144xf32>
      %sub3A_38 = arith.subf %min3A_34, %max3A_29 : vector<128x6144xf32>
      %max3A_39 = arith.constant 0.000000e+00 : f32
      %max3A_40 = vector.broadcast %max3A_39 : f32 to vector<128x6144xf32>
      %max3A_41 = arith.maximumf %sub3A_38, %max3A_40 : vector<128x6144xf32>
      %sub3A_42 = arith.subf %min3A_37, %max3A_32 : vector<128x6144xf32>
      %max3A_43 = arith.constant 0.000000e+00 : f32
      %max3A_44 = vector.broadcast %max3A_43 : f32 to vector<128x6144xf32>
      %max3A_45 = arith.maximumf %sub3A_42, %max3A_44 : vector<128x6144xf32>
      %mul3A_46 = arith.mulf %max3A_41, %max3A_45 : vector<128x6144xf32>
      %sub3A_47 = arith.subf %slice3A_26, %slice3A : vector<128x1xf32>
      %sub3A_48 = arith.subf %slice3A_27, %slice3A_25 : vector<128x1xf32>
      %mul3A_49 = arith.mulf %sub3A_47, %sub3A_48 : vector<128x1xf32>
      %add3A = vector.broadcast %mul3A_49 : vector<128x1xf32> to vector<128x6144xf32>
      %add3A_50 = vector.broadcast %mul3A : vector<1x6144xf32> to vector<128x6144xf32>
      %add3A_51 = arith.addf %add3A, %add3A_50 : vector<128x6144xf32>
      %sub3A_52 = arith.subf %add3A_51, %mul3A_46 : vector<128x6144xf32>
      %add3A_53 = arith.constant 9.99999971E-10 : f32
      %add3A_54 = vector.broadcast %add3A_53 : f32 to vector<128x6144xf32>
      %add3A_55 = arith.addf %sub3A_52, %add3A_54 : vector<128x6144xf32>
      %div3A = arith.divf %mul3A_46, %add3A_55 : vector<128x6144xf32>
      %gt3A = arith.constant 0.699999988 : f32
      %gt3A_56 = vector.broadcast %gt3A : f32 to vector<128x6144xf32>
      %gt3A_57 = arith.cmpf ogt, %div3A, %gt3A_56 : vector<128x6144xf32>
      %jit3A = arith.constant 1.000000e+00 : f32
      %jit3A_58 = arith.constant 0.000000e+00 : f32
      %broadcast_in_dim3A_59 = vector.broadcast %jit3A : f32 to vector<128x6144xf32>
      %broadcast_in_dim3A_60 = vector.broadcast %jit3A_58 : f32 to vector<128x6144xf32>
      %select_n3A = arith.select %gt3A_57, %broadcast_in_dim3A_59, %broadcast_in_dim3A_60 : vector<128x6144xi1>, vector<128x6144xf32>
      %slice3A_61 = vector.extract_strided_slice %get3A_24 {offsets = [0, 0], sizes = [1, 128], strides = [1, 1]} : vector<8x128xf32> to vector<1x128xf32>
      %slice3A_62 = vector.extract_strided_slice %get3A_24 {offsets = [1, 0], sizes = [1, 128], strides = [1, 1]} : vector<8x128xf32> to vector<1x128xf32>
      %slice3A_63 = vector.extract_strided_slice %get3A_24 {offsets = [2, 0], sizes = [1, 128], strides = [1, 1]} : vector<8x128xf32> to vector<1x128xf32>
      %slice3A_64 = vector.extract_strided_slice %get3A_24 {offsets = [3, 0], sizes = [1, 128], strides = [1, 1]} : vector<8x128xf32> to vector<1x128xf32>
      %max3A_65 = vector.broadcast %slice3A : vector<128x1xf32> to vector<128x128xf32>
      %max3A_66 = vector.broadcast %slice3A_61 : vector<1x128xf32> to vector<128x128xf32>
      %max3A_67 = arith.maximumf %max3A_65, %max3A_66 : vector<128x128xf32>
      %max3A_68 = vector.broadcast %slice3A_25 : vector<128x1xf32> to vector<128x128xf32>
      %max3A_69 = vector.broadcast %slice3A_62 : vector<1x128xf32> to vector<128x128xf32>
      %max3A_70 = arith.maximumf %max3A_68, %max3A_69 : vector<128x128xf32>
      %min3A_71 = vector.broadcast %slice3A_26 : vector<128x1xf32> to vector<128x128xf32>
      %min3A_72 = vector.broadcast %slice3A_63 : vector<1x128xf32> to vector<128x128xf32>
      %min3A_73 = arith.minimumf %min3A_71, %min3A_72 : vector<128x128xf32>
      %min3A_74 = vector.broadcast %slice3A_27 : vector<128x1xf32> to vector<128x128xf32>
      %min3A_75 = vector.broadcast %slice3A_64 : vector<1x128xf32> to vector<128x128xf32>
      %min3A_76 = arith.minimumf %min3A_74, %min3A_75 : vector<128x128xf32>
      %sub3A_77 = arith.subf %min3A_73, %max3A_67 : vector<128x128xf32>
      %max3A_78 = arith.constant 0.000000e+00 : f32
      %max3A_79 = vector.broadcast %max3A_78 : f32 to vector<128x128xf32>
      %max3A_80 = arith.maximumf %sub3A_77, %max3A_79 : vector<128x128xf32>
      %sub3A_81 = arith.subf %min3A_76, %max3A_70 : vector<128x128xf32>
      %max3A_82 = arith.constant 0.000000e+00 : f32
      %max3A_83 = vector.broadcast %max3A_82 : f32 to vector<128x128xf32>
      %max3A_84 = arith.maximumf %sub3A_81, %max3A_83 : vector<128x128xf32>
      %mul3A_85 = arith.mulf %max3A_80, %max3A_84 : vector<128x128xf32>
      %sub3A_86 = arith.subf %slice3A_63, %slice3A_61 : vector<1x128xf32>
      %sub3A_87 = arith.subf %slice3A_64, %slice3A_62 : vector<1x128xf32>
      %mul3A_88 = arith.mulf %sub3A_86, %sub3A_87 : vector<1x128xf32>
      %add3A_89 = vector.broadcast %mul3A_49 : vector<128x1xf32> to vector<128x128xf32>
      %add3A_90 = vector.broadcast %mul3A_88 : vector<1x128xf32> to vector<128x128xf32>
      %add3A_91 = arith.addf %add3A_89, %add3A_90 : vector<128x128xf32>
      %sub3A_92 = arith.subf %add3A_91, %mul3A_85 : vector<128x128xf32>
      %add3A_93 = arith.constant 9.99999971E-10 : f32
      %add3A_94 = vector.broadcast %add3A_93 : f32 to vector<128x128xf32>
      %add3A_95 = arith.addf %sub3A_92, %add3A_94 : vector<128x128xf32>
      %div3A_96 = arith.divf %mul3A_85, %add3A_95 : vector<128x128xf32>
      %iota3A = tpu.iota {dimensions = array<i32: 0>} : vector<128x128xi32>
      %iota3A_97 = tpu.iota {dimensions = array<i32: 1>} : vector<128x128xi32>
      %gt3A_98 = arith.constant 0.699999988 : f32
      %gt3A_99 = vector.broadcast %gt3A_98 : f32 to vector<128x128xf32>
      %gt3A_100 = arith.cmpf ogt, %div3A_96, %gt3A_99 : vector<128x128xf32>
      %lt3A = arith.cmpi slt, %iota3A, %iota3A_97 : vector<128x128xi32>
      %and3A = arith.andi %gt3A_100, %lt3A : vector<128x128xi1>
      %jit3A_101 = arith.constant 1.000000e+00 : f32
      %jit3A_102 = arith.constant 0.000000e+00 : f32
      %broadcast_in_dim3A_103 = vector.broadcast %jit3A_101 : f32 to vector<128x128xf32>
      %broadcast_in_dim3A_104 = vector.broadcast %jit3A_102 : f32 to vector<128x128xf32>
      %select_n3A_105 = arith.select %and3A, %broadcast_in_dim3A_103, %broadcast_in_dim3A_104 : vector<128x128xi1>, vector<128x128xf32>
      %get3A_106 = arith.constant 0 : index
      %get3A_107 = arith.index_cast %mul3A_21 : i32 to index
      %get3A_108 = vector.load %arg2[%get3A_106, %get3A_107] : memref<1x6144xf32, #tpu.memory_space<vmem>>, vector<1x128xf32>
      %sub3A_109 = arith.constant 1.000000e+00 : f32
      %sub3A_110 = vector.broadcast %sub3A_109 : f32 to vector<1x128xf32>
      %sub3A_111 = arith.subf %sub3A_110, %get3A_108 : vector<1x128xf32>
      %while3A = arith.constant true
      %while3A_112:2 = scf.while (%while3A_141 = %sub3A_111, %while3A_142 = %while3A) : (vector<1x128xf32>, i1) -> (vector<1x128xf32>, i1) {
        scf.condition(%while3A_142) %while3A_141, %while3A_142 : vector<1x128xf32>, i1
      } do {
      ^bb0(%while3A_141: vector<1x128xf32>, %while3A_142: i1):
        %dot_general3A_143 = arith.constant dense<0.000000e+00> : vector<1x128xf32>
        %dot_general3A_144 = tpu.matmul %while3A_141, %select_n3A_105, %dot_general3A_143 {dimension_numbers = #tpu.dot_dimension_numbers<[1], [0], [0], [1], [0, 0, 1, 1], [], []>, transpose_lhs_hint = false} : vector<1x128xf32>, vector<128x128xf32>, vector<1x128xf32> -> vector<1x128xf32>
        %gt3A_145 = arith.constant 5.000000e-01 : f32
        %gt3A_146 = vector.broadcast %gt3A_145 : f32 to vector<1x128xf32>
        %gt3A_147 = arith.cmpf ogt, %dot_general3A_144, %gt3A_146 : vector<1x128xf32>
        %jit3A_148 = arith.constant 0.000000e+00 : f32
        %broadcast_in_dim3A_149 = vector.broadcast %jit3A_148 : f32 to vector<1x128xf32>
        %select_n3A_150 = arith.select %gt3A_147, %broadcast_in_dim3A_149, %sub3A_111 : vector<1x128xi1>, vector<1x128xf32>
        %ne3A = arith.cmpf one, %select_n3A_150, %while3A_141 : vector<1x128xf32>
        %reduce_or3A = arith.constant 1.000000e+00 : f32
        %reduce_or3A_151 = arith.constant 0.000000e+00 : f32
        %reduce_or3A_152 = vector.broadcast %reduce_or3A : f32 to vector<1x128xf32>
        %reduce_or3A_153 = vector.broadcast %reduce_or3A_151 : f32 to vector<1x128xf32>
        %reduce_or3A_154 = arith.select %ne3A, %reduce_or3A_152, %reduce_or3A_153 : vector<1x128xi1>, vector<1x128xf32>
        %reduce_or3A_155 = vector.shape_cast %reduce_or3A_154 : vector<1x128xf32> to vector<1x1x128xf32>
        %reduce_or3A_156 = arith.constant dense<0xFF800000> : vector<1xf32>
        %reduce_or3A_157 = vector.multi_reduction <maximumf>, %reduce_or3A_155, %reduce_or3A_156 [1, 2] : vector<1x1x128xf32> to vector<1xf32>
        %reduce_or3A_158 = vector.shape_cast %reduce_or3A_157 : vector<1xf32> to vector<1x1x1xf32>
        %reduce_or3A_159 = vector.extract %reduce_or3A_158[0, 0, 0] : f32 from vector<1x1x1xf32>
        %reduce_or3A_160 = arith.constant 0.000000e+00 : f32
        %reduce_or3A_161 = arith.cmpf ogt, %reduce_or3A_159, %reduce_or3A_160 : f32
        scf.yield %select_n3A_150, %reduce_or3A_161 : vector<1x128xf32>, i1
      }
      %get3A_113 = arith.constant 4 : index
      %get3A_114 = arith.index_cast %mul3A_21 : i32 to index
      %get3A_115 = vector.load %arg0[%get3A_113, %get3A_114] : memref<8x6144xf32, #tpu.memory_space<vmem>>, vector<1x128xf32>
      %gt3A_116 = arith.constant 5.000000e-01 : f32
      %gt3A_117 = vector.broadcast %gt3A_116 : f32 to vector<1x128xf32>
      %gt3A_118 = arith.cmpf ogt, %while3A_112#0, %gt3A_117 : vector<1x128xf32>
      %jit3A_119 = arith.constant -1.000000e+09 : f32
      %broadcast_in_dim3A_120 = vector.broadcast %jit3A_119 : f32 to vector<1x128xf32>
      %select_n3A_121 = arith.select %gt3A_118, %get3A_115, %broadcast_in_dim3A_120 : vector<1x128xi1>, vector<1x128xf32>
      %swap3A_122 = arith.constant 0 : index
      %swap3A_123 = arith.index_cast %mul3A_21 : i32 to index
      %swap3A_124 = vector.load %arg1[%swap3A_122, %swap3A_123] : memref<1x6144xf32, #tpu.memory_space<vmem>>, vector<1x128xf32>
      tpu.vector_store %arg1[%swap3A_122, %swap3A_123], %select_n3A_121 {strides = array<i32>} : memref<1x6144xf32, #tpu.memory_space<vmem>>, vector<1x128xf32>,
      %dot_general3A = arith.constant dense<0.000000e+00> : vector<1x6144xf32>
      %dot_general3A_125 = tpu.matmul %while3A_112#0, %select_n3A, %dot_general3A {dimension_numbers = #tpu.dot_dimension_numbers<[1], [0], [0], [1], [0, 0, 1, 1], [], []>, transpose_lhs_hint = false} : vector<1x128xf32>, vector<128x6144xf32>, vector<1x6144xf32> -> vector<1x6144xf32>
      %get3A_126 = arith.constant 0 : index
      %get3A_127 = arith.constant 0 : index
      %get3A_128 = vector.load %arg2[%get3A_126, %get3A_127] : memref<1x6144xf32, #tpu.memory_space<vmem>>, vector<1x6144xf32>
      %gt3A_129 = arith.constant 5.000000e-01 : f32
      %gt3A_130 = vector.broadcast %gt3A_129 : f32 to vector<1x6144xf32>
      %gt3A_131 = arith.cmpf ogt, %dot_general3A_125, %gt3A_130 : vector<1x6144xf32>
      %jit3A_132 = arith.constant 1.000000e+00 : f32
      %jit3A_133 = arith.constant 0.000000e+00 : f32
      %broadcast_in_dim3A_134 = vector.broadcast %jit3A_132 : f32 to vector<1x6144xf32>
      %broadcast_in_dim3A_135 = vector.broadcast %jit3A_133 : f32 to vector<1x6144xf32>
      %select_n3A_136 = arith.select %gt3A_131, %broadcast_in_dim3A_134, %broadcast_in_dim3A_135 : vector<1x6144xi1>, vector<1x6144xf32>
      %max3A_137 = arith.maximumf %get3A_128, %select_n3A_136 : vector<1x6144xf32>
      %swap3A_138 = arith.constant 0 : index
      %swap3A_139 = arith.constant 0 : index
      %swap3A_140 = vector.load %arg2[%swap3A_138, %swap3A_139] : memref<1x6144xf32, #tpu.memory_space<vmem>>, vector<1x6144xf32>
      tpu.vector_store %arg2[%swap3A_138, %swap3A_139], %max3A_137 {strides = array<i32>} : memref<1x6144xf32, #tpu.memory_space<vmem>>, vector<1x6144xf32>,
    }
    %scan3A_18 = arith.constant 48 : i32
    return
  }
}

</mosaic_0001>

<sc_bundles>
// kernel: gather_offload_async_start
scs
__scs_entry_jumppad:
0x0: {  	(pc) =	sbr.rel $0x88, $3  }
0x1: {  	(tag) =	ssettag $0x0;
	lr =	simm.s32 $0x1  }
0x2: {  	[smem:$0x3F9F] =	sst lr;
	_ =	strace $0xD0000000  }
0x3: {  	_ = 	snop  }
0x4: {  	_ = 	snop  }
0x5: {  	_ = 	snop  }
0x6: {  	_ = 	snop  }
0x7: {  	_ = 	snop  }
__scs_overlays_trampoline_lowered:
0x8: {  	[smem:$0x3FAE] =	sst s0  }
0x9: {  	[smem:$0x3FAF] =	sst s1  }
0xa: {  	[smem:$0x3FB0] =	sst s2  }
0xb: {  	[smem:$0x3FB1] =	sst s3  }
0xc: {  	[smem:$0x3FB2] =	sst s4  }
0xd: {  	[smem:$0x3FB3] =	sst s5  }
0xe: {  	[smem:$0x3FB4] =	sst s6  }
0xf: {  	[smem:$0x3FB5] =	sst s7  }
0x10: {  	[smem:$0x3FB6] =	sst s8  }
0x11: {  	[smem:$0x3FB7] =	sst s9;
	s0 =	simm.s32 @!p0 $0x0  }
0x12: {  	s1 =	sld [smem:$0x3F9D];
	s0 =	simm.s32 @p0 $0x1  }
0x13: {  	[smem:$0x3FB8] =	sst s0;
	s0 =	simm.s32 @!p1 $0x0  }
0x14: {  	s2 =	sld [smem:$0x3F9C];
	s0 =	simm.s32 @p1 $0x1  }
0x15: {  	[smem:$0x3FB9] =	sst s0;
	s0 =	simm.s32 @!p2 $0x0  }
0x16: {  	s3 =	sld [smem:$0x3FDB];
	s0 =	simm.s32 @p2 $0x1  }
0x17: {  	s4 =	simm.s32 $0x1BF5;
	[smem:$0x3FBB] =	sst s0  }
0x18: {  	s0 =	sld [smem:$0x3F9E];
	_ =	swait.ge [sflag:s4], $0x0  }
0x19: {  	s7 =	sld [smem:$0x3F9F]  }
0x1a: {  	s8 =	sadd.s32 $0xFFFFE003, lr  }
0x1b: {  	s9 =	sadd.s32 $0xFFFFFEF7, lr;
	s5 =	simm.s32 $0xFFFFFFFF;
	p2 =	slt.u32 s8, $0xFFFFF086  }
0x1c: {  	p1 =	slt.u32 s9, $0xF7A;
	s5 =	simm.s32 @!p2 $0x0  }
0x1d: {  	s5 =	simm.s32 @p1 $0x1;
	p0 =	seq.s32 s7, s2  }
0x1e: {  	s7 =	smul.u32 @!p0 $0xF7A, s2;
	p2 =	seq.s32 @!p0 s5, $0x0  }
0x1f: {  	s9 =	smul.u32 $0xF7A, s1;
	s8 =	simm.s32 @!p0 $0x1BF5;
	p2 =	por !p2, p0  }
0x20: {  	[sflag:s8] =	ssyncset.s32 @!p0 $0xFFFFF086;
	s6 =	sadd.s32 @!p0 s3, s7;
	s7 =	simm.s32 @!p0 $0x108  }
0x21: {  	s3 =	sadd.s32 s3, s9;
	s6 =	sadd.s32 @!p0 $0x88, s6;
	s7 =	simm.s32 @p2 $0x1082  }
0x22: {  	[simem:s7], [sflag:s8] =	dma.local @!p0 [hbm:s6], $0xF7A  }
0x23: {  	s9 =	sor.u32 $0xD0000000, s2;
	s6 =	simm.s32 $0x108;
	_ =	swait.ge @!p0 [sflag:s8], $0x0  }
0x24: {  	s3 =	sadd.s32 $0x88, s3;
	s6 =	simm.s32 @!p1 $0x1082;
	[sflag:s4] =	ssyncset.s32 $0xFFFFF086  }
0x25: {  	[simem:s6], [sflag:s4] =	dma.local [hbm:s3], $0xF7A  }
0x26: {  	[smem:$0x3F9F] =	sst s1;
	(tag) =	ssettag s2;
	_ =	strace s9  }
0x27: {  	s1 =	sld [smem:$0x3FAF]  }
0x28: {  	s2 =	sld [smem:$0x3FB0]  }
0x29: {  	s4 =	sld [smem:$0x3FB2]  }
0x2a: {  	p0 =	seq.s32 s5, $0x0;
	s5 =	sld [smem:$0x3FB3]  }
0x2b: {  	s6 =	sld [smem:$0x3FB4]  }
0x2c: {  	s7 =	sld [smem:$0x3FB5]  }
0x2d: {  	s3 =	simm.s32 $0x108;
	s8 =	sld [smem:$0x3FB6]  }
0x2e: {  	s3 =	simm.s32 @!p0 $0x1082;
	s9 =	sld [smem:$0x3FB7]  }
0x2f: {  	lr =	sadd.s32 s0, s3;
	s0 =	sld [smem:$0x3FAE]  }
0x30: {  	s3 =	sld [smem:$0x3FB1]  }
0x31: {  	[smem:$0x3FBA] =	sst s10  }
0x32: {  	s10 =	sld [smem:$0x3FB8];
	_ =	sdelay $0x3  }
0x33: {  	p0 =	seq.s32 s10, $0x1;
	s10 =	sld [smem:$0x3FBA];
	_ =	sdelay $0x3  }
0x34: {  	[smem:$0x3FBA] =	sst s10  }
0x35: {  	s10 =	sld [smem:$0x3FB9];
	_ =	sdelay $0x3  }
0x36: {  	p1 =	seq.s32 s10, $0x1;
	s10 =	sld [smem:$0x3FBA];
	_ =	sdelay $0x3  }
0x37: {  	[smem:$0x3FBA] =	sst s10  }
0x38: {  	s10 =	sld [smem:$0x3FBB]  }
0x39: {  	_ = 	snop;
	(pc) =	sbr.ind lr, $3  }
0x3a: {  	_ = 	snop  }
0x3b: {  	_ = 	snop  }
0x3c: {  	p2 =	seq.s32 s10, $0x1;
	s10 =	sld [smem:$0x3FBA]  }
0x3d: {  	_ =	shalt  }
0x3e: {  	_ =	shalt  }
0x3f: {  	_ =	shalt  }
0x40: {  	_ =	shalt  }
0x41: {  	_ =	shalt  }
0x42: {  	_ =	shalt  }
0x43: {  	_ =	shalt  }
0x44: {  	_ =	shalt  }
0x45: {  	_ =	shalt  }
0x46: {  	_ =	shalt  }
0x47: {  	_ =	shalt  }
0x48: {  	_ =	shalt  }
0x49: {  	_ =	shalt  }
0x4a: {  	_ =	shalt  }
0x4b: {  	_ =	shalt  }
0x4c: {  	_ =	shalt  }
0x4d: {  	_ =	shalt  }
0x4e: {  	_ =	shalt  }
0x4f: {  	_ =	shalt  }
0x50: {  	_ =	shalt  }
0x51: {  	_ =	shalt  }
0x52: {  	_ =	shalt  }
0x53: {  	_ =	shalt  }
0x54: {  	_ =	shalt  }
0x55: {  	_ =	shalt  }
0x56: {  	_ =	shalt  }
0x57: {  	_ =	shalt  }
0x58: {  	_ =	shalt  }
0x59: {  	_ =	shalt  }
0x5a: {  	_ =	shalt  }
0x5b: {  	_ =	shalt  }
0x5c: {  	_ =	shalt  }
0x5d: {  	_ =	shalt  }
0x5e: {  	_ =	shalt  }
0x5f: {  	_ =	shalt  }
0x60: {  	_ =	shalt  }
0x61: {  	_ =	shalt  }
0x62: {  	_ =	shalt  }
0x63: {  	_ =	shalt  }
0x64: {  	_ =	shalt  }
0x65: {  	_ =	shalt  }
0x66: {  	_ =	shalt  }
0x67: {  	_ =	shalt  }
0x68: {  	_ =	shalt  }
0x69: {  	_ =	shalt  }
0x6a: {  	_ =	shalt  }
0x6b: {  	_ =	shalt  }
0x6c: {  	_ =	shalt  }
0x6d: {  	_ =	shalt  }
0x6e: {  	_ =	shalt  }
0x6f: {  	_ =	shalt  }
0x70: {  	_ =	shalt  }
0x71: {  	_ =	shalt  }
0x72: {  	_ =	shalt  }
0x73: {  	_ =	shalt  }
0x74: {  	_ =	shalt  }
0x75: {  	_ =	shalt  }
0x76: {  	_ =	shalt  }
0x77: {  	_ =	shalt  }
0x78: {  	_ =	shalt  }
0x79: {  	_ =	shalt  }
0x7a: {  	_ =	shalt  }
0x7b: {  	_ =	shalt  }
0x7c: {  	_ =	shalt  }
0x7d: {  	_ =	shalt  }
0x7e: {  	_ =	shalt  }
0x7f: {  	_ =	shalt  }
0x80: {  	_ =	shalt  }
0x81: {  	_ =	shalt  }
0x82: {  	_ =	shalt  }
0x83: {  	_ =	shalt  }
0x84: {  	_ =	shalt  }
0x85: {  	_ =	shalt  }
0x86: {  	_ =	shalt  }
0x87: {  	_ =	shalt  }
.Lfunc_end0:
.L_simem_size_0:
called_computation_lowered:
.L_overlay_start_0:
0x88: {  	s0 =	sld [smem:$0x3FD9]  }
0x89: {  	s1 =	sld [smem:$0x3FFE];
	_ =	sdelay $0x3  }
0x8a: {  	s0 =	sadd.s32 s1, s0  }
0x8b: {  	[smem:$0x3FC6] =	sst s0  }
0x8c: {  	_ = 	snop  }
0x8d: {  	(tm) =	ssettm $0x1  }
0x8e: {  	s15 =	sld [smem:$0x3FFB];
	_ =	sdelay $0x3  }
0x8f: {  	_ =	strace s15  }
0x90: {  	s0 =	sld [smem:$0x3FFC];
	_ =	sdelay $0x3  }
0x91: {  	_ =	strace s0  }
0x92: {  	s0 =	sld [smem:$0x3FFD];
	_ =	sdelay $0x3  }
0x93: {  	_ =	strace s0  }
0x94: {  	_ =	strace $0x8FFFFFFF  }
0x95: {  	s16 =	sld [smem:$0x3FDB];
	_ =	sdelay $0x1  }
0x96: {  	s17 =	simm.s32 $_scs_section_size  }
0x97: {  	s2 =	simm.s32 $_size__tile_overlayer_lowered;
	s3 =	simm.s32 $_tile_overlayer_lowered  }
0x98: {  	s20 =	simm.s32 $0x1BFF;
	s19 =	sshll.u32 s3, $0x1;
	s0 =	sadd.s32 s17, s16  }
0x99: {  	s4 =	simm.s32 $0x0;
	s18 =	sshll.u32 s2, $0x1;
	s2 =	sadd.s32 s19, s0  }
0x9a: {  	[timem:s4], [sflag:s20] =	dma.local [hbm:s2], s18  }
0x9b: {  	_ =	swait.ge [sflag:s20], s18  }
0x9c: {  	s1 =	ssub.s32 $0x0, s18;
	[sflag:s20] =	ssyncset.done $0x0  }
0x9d: {  	[sflag:s20] =	ssyncadd.s32 s1;
	_ =	sdelay $0x1  }
0x9e: {  	s21 =	simm.s32 $0x1B8B  }
0x9f: {  	_ =	swait.ge [sflag:s21], $0x1  }
0xa0: {  	[sflag:s21] =	ssyncset.done $0x0  }
0xa1: {  	s23 =	simm.s32 $0x1B8E;
	s22 =	sld [smem:$0x3FFE];
	[sflag:s21] =	ssyncadd.s32 $0xFFFFFFFF  }
0xa2: {  	s24 =	simm.s32 $execute0_lowered;
	[smem:$0x3FD2] =	sst s23  }
0xa3: {  	s2 =	sshll.u32 s24, $0x1;
	_ =	strace $0x80000046;
	[dreg:$0x1] =	wrdreg $0xFFFFFFFF  }
0xa4: {  	s25 =	simm.s32 $_size_execute0_lowered;
	s0 =	sadd.s32 s0, s2;
	[dreg:$0x0] =	wrdreg $0x0  }
0xa5: {  	s2 =	sshll.u32 s25, $0x1;
	[dreg:$0x2] =	wrdreg s0  }
0xa6: {  	[dreg:$0x3] =	wrdreg s2  }
0xa7: {  	[dreg:$0x4] =	wrdreg $0xC0  }
0xa8: {  	_ =	task [dreg:s4], $0x5FFFF  }
0xa9: {  	[dreg:$0x1] =	wrdreg $0xFFFFFFFF  }
0xaa: {  	[dreg:$0x0] =	wrdreg $0x60  }
0xab: {  	[dreg:$0x2] =	wrdreg s22  }
0xac: {  	[dreg:$0x3] =	wrdreg $0x9  }
0xad: {  	_ =	task.clear_ibuf [dreg:s4], $0x4FFFF;
	_ =	strace $0x90000046  }
0xae: {  	s26 =	simm.s32 $0x9;
	_ =	strace $0x80000048  }
0xaf: {  	_ =	swait.ge [sflag:s26], $0x1  }
0xb0: {  	[sflag:s26] =	ssyncadd.s32 $0xFFFFFFFF  }
0xb1: {  	_ =	strace $0x90000048  }
0xb2: {  	_ =	sfence  }
0xb3: {  	s28 =	sld [smem:$0x0];
	_ =	sdelay $0x1  }
0xb4: {  	s29 =	srdreg.scid  }
0xb5: {  	s30 =	sshll.u32 s29, $0xD;
	s31 =	sshrl.u32 s29, $0x2  }
0xb6: {  	s1 =	sand.u32 $0x1, s29;
	s2 =	sand.u32 $0x4000, s30;
	s0 =	sadd.s32 s31, s28  }
0xb7: {  	s1 =	sor.u32 s2, s1;
	s0 =	sshll.u32 s0, $0x11  }
0xb8: {  	s0 =	sor.u32 s0, s1  }
0xb9: {  	s0 =	sadd.s32 $0x8F2B, s0  }
0xba: {  	[sflag:s0] =	ssyncadd.remote.s32 $0x1  }
0xbb: {  	_ =	sfence.sel $0xFFFF  }
0xbc: {  	[dreg:$0x0] =	wrdreg $0xFFFFFFFF;
	(pc) =	sbr.abs _section_cstart, $3  }
0xbd: {  	[dreg:$0x1] =	wrdreg $0xFFFFFFFF  }
0xbe: {  	_ =	task.clear_ibuf [dreg:s4], $0x2FFFF;
	_ =	strace $0x9FFFFFFF  }
0xbf: {  	(tm) =	ssettm $0x7FFFFFFF  }
tec
execute0_lowered:
.L_overlay_start_1:
0x0: {  	(tag) =	ssettag $0x1  }
0x1: {  	s0 =	stileid.u32  }
0x2: {  	s1 =	smin.u32 s0, $0xE  }
0x3: {  	s1 =	sadd.s32 s0, s1  }
0x4: {  	s2 =	simm.s32 $0x190;
	p0 =	slt.u32 s0, $0xE;
	s1 =	smul.u32 $0xC8, s1  }
0x5: {  	s2 =	simm.s32 @!p0 $0xC8  }
0x6: {  	s2 =	sadd.s32 s2, s1  }
0x7: {  	s3 =	smin.u32 s2, $0x1770  }
0x8: {  	s7 =	ssub.s32 s3, s1  }
0x9: {  	p0 =	sgt.s32 s7, $0x0  }
0xa: {  	s7 =	simm.s32 @!p0 $0x0  }
0xb: {  	s31 =	sand.u32 $0xFFF8, s7  }
0xc: {  	s2 =	sshrl.u32 s31, $0x3  }
0xd: {  	s2 =	smul.u32 $0x147B, s2  }
0xe: {  	s4 =	rddreg [dreg:$0x0];
	s6 =	simm.s32 $0x1  }
0xf: {  	s10 =	simm.s32 $0x3;
	s13 =	simm.s32 $0x0;
	s8 =	sshrl.u32 s2, $0x11  }
0x10: {  	s12 =	simm.s32 $0x0;
	s5 =	sadd.s32 $0x400, s4;
	s9 =	smul.u32 $0xC8, s8  }
.Ltmp0:
0x11: {  	s11 =	smov.u32 s1;
	s2 =	rddreg [dreg:$0x1];
	(pc) =	sbr.rel .LBB2_1-.Ltmp0, $4  }
0x12: {  	_ =	strace $0x80000047;
	p0 =	sne.s32 s7, s9;
	s9 =	simm.s32 $0x1  }
0x13: {  	[sflag:s6] =	ssyncpa.u1 $0x0;
	s7 =	simm.s32 $0x2;
	s9 =	simm.s32 @!p0 $0x0  }
0x14: {  	[sflag:s7] =	ssyncpa.u1 $0x0;
	p0 =	por $0x0, $0x0;
	s8 =	sadd.s32 s8, s9  }
0x15: {  	vm0 =	vmmov $0xff;
	vm1 =	vcmask $0x3F20;
	s9 =	sadd.s32 $0x4E600, s4;
	[sflag:s10] =	ssyncpa.u1 $0x0;
	s10 =	sadd.s32 $0x1, s8  }
.LBB2_6:
0x16: {  	[hbm:s17] =	stream.linear.scatter [tilespmem:s14], [sflag:$0x3], $0x400, $0x38;
	[tilespmem:$0xC990] =	vst v63  }
.LBB2_7:
0x17: {  	s13 =	sadd.s32 $0xC8, s11  }
0x18: {  	s15 =	smov.u32 s1;
	p2 =	slt.s32 s13, s3  }
0x19: {  	s15 =	smov.u32 @p2 s13;
	p2 =	sne.s32 s12, s10  }
.Ltmp1:
0x1a: {  	p1 =	slt.u32 s12, $0x2;
	(pc) =	sbr.rel @!p2 .LBB2_8-.Ltmp1, $4  }
0x1b: {  	s14 =	simm.s32 @!p1 $0x3  }
0x1c: {  	s16 =	sadd.s32 $0x1, s12;
	_ =	swait.ge @!p1 [sflag:s14], $0x6400  }
0x1d: {  	p0 =	por !p0, !p0;
	s13 =	smov.u32 s11;
	[sflag:s14] =	ssyncset.done @!p1 $0x0  }
0x1e: {  	s12 =	smov.u32 s16;
	s11 =	smov.u32 s15;
	[sflag:s14] =	ssyncadd.s32 @!p1 $0xFFFF9C00  }
.LBB2_1:
0x1f: {  	p1 =	sge.u32 s12, s8  }
0x20: {  	s14 =	sxor.u32 @!p1 $0xFFFFFFFF, s12  }
0x21: {  	s14 =	sand.u32 @!p1 $0x1, s14  }
0x22: {  	s14 =	smul.u32 @!p1 $0x320, s14  }
0x23: {  	s31 =	sadd.s32 $0xFFFFFFFF, s12;
	s15 =	sshrl.u32 @!p1 s11, $0x3  }
0x24: {  	s16 =	sand.u32 @!p1 $0x7, s11;
	s15 =	sadd.s32 @!p1 s4, s15;
	s14 =	sshrl.u32 @!p1 s14, $0x2  }
0x25: {  	[tilespmem:s14], [sflag:$0x2] =	stream.linear.gather @!p1 [hbm4b:s15+s16], $0xC8, $0x38;
	[tilespmem:$0xC990] =	vst v63  }
0x26: {  	p1 =	sge.u32 s31, s8  }
.Ltmp2:
0x27: {  	_ = 	snop;
	(pc) =	sbr.rel @p1 .LBB2_7-.Ltmp2, $1  }
0x28: {  	_ =	sdelay $0x3  }
0x29: {  	s14 =	simm.s32 $0x1  }
0x2a: {  	s14 =	simm.s32 @!p0 $0x0  }
0x2b: {  	s15 =	smul.u32 $0x320, s14  }
0x2c: {  	_ =	swait.ge [sflag:s7], $0xC8  }
0x2d: {  	[sflag:s7] =	ssyncset.done $0x0;
	s16 =	sshrl.u32 s15, $0x2  }
0x2e: {  	[sflag:s7] =	ssyncadd.s32 $0xFFFFFF38;
	s15 =	sadd.s32 $0x0, s16  }
0x2f: {  	v0 =	vld.msk [tilespmem:s15+$0x0 ss:$0x1], $0xffff;
	_ =	sdelay $0x4  }
0x30: {  	vm2 =	vgt.s32 v0, $0x0  }
0x31: {  	v0 =	vnsel vm2, $0x0, v0  }
0x32: {  	v0 =	vmin.u32 v0, $0x4E1F  }
0x33: {  	v0 =	vshll.u32 v0, $0x4  }
0x34: {  	s14 =	smul.u32 $0x19000, s14  }
0x35: {  	s31 =	sand.u32 $0x1, s12  }
0x36: {  	s17 =	smul.u32 $0x320, s31;
	s14 =	sshrl.u32 s14, $0x2  }
0x37: {  	s19 =	smul.u32 $0x19000, s31;
	s14 =	sor.u32 $0x190, s14  }
0x38: {  	[tilespmem:s14], [sflag:$0x1] =	stream.indirect_vreg.gather [hbm:s5], $0x80, v0, vm0, $0x38;
	[tilespmem:$0xC990] =	vst v63  }
0x39: {  	s18 =	sshrl.u32 s17, $0x2;
	s20 =	sadd.s32 $0x10, s16;
	s15 =	sadd.s32 $0x400, s14  }
0x3a: {  	[tilespmem:s15], [sflag:$0x1] =	stream.indirect_vreg.gather [hbm:s5], $0x80, v0, vm1, $0x38;
	[tilespmem:$0xC990] =	vst v63  }
0x3b: {  	s17 =	sshrl.u32 s19, $0x2;
	s19 =	smov.u32 s14;
	v0 =	vld.msk [tilespmem:s20+$0x0 ss:$0x1], $0xffff;
	s20 =	simm.s32 $0x80  }
.LBB2_3:
0x3c: {  	p1 =	sne.s32 s20, $0x2C0;
	_ =	sdelay $0x4  }
0x3d: {  	vm2 =	vgt.s32 v0, $0x0  }
0x3e: {  	v0 =	vnsel vm2, $0x0, v0  }
0x3f: {  	v0 =	vmin.u32 v0, $0x4E1F  }
0x40: {  	v0 =	vshll.u32 v0, $0x4;
	_ =	sdelay $0x3  }
.Ltmp3:
0x41: {  	s21 =	sshra.s32 s20, $0x2;
	s19 =	sadd.s32 $0x800, s19;
	(pc) =	sbr.rel @p1 .LBB2_3-.Ltmp3, $4  }
0x42: {  	[tilespmem:s19], [sflag:$0x1] =	stream.indirect_vreg.gather [hbm:s5], $0x80, v0, vm0, $0x38;
	[tilespmem:$0xC990] =	vst v63  }
0x43: {  	s21 =	sadd.s32 s21, s16;
	s22 =	sadd.s32 $0x400, s19  }
0x44: {  	[tilespmem:s22], [sflag:$0x1] =	stream.indirect_vreg.gather [hbm:s5], $0x80, v0, vm1, $0x38;
	[tilespmem:$0xC990] =	vst v63  }
0x45: {  	s20 =	sadd.s32 $0x40, s20;
	v0 =	vld.msk [tilespmem:s21+$0x0 ss:$0x1], $0xffff  }
0x46: {  	_ =	sdelay $0x3  }
0x47: {  	vm2 =	vgt.s32 v0, $0x0  }
0x48: {  	v0 =	vnsel vm2, $0x0, v0  }
0x49: {  	v0 =	vmin.u32 v0, $0x4E1F  }
0x4a: {  	v0 =	vshll.u32 v0, $0x4;
	_ =	sdelay $0x3  }
0x4b: {  	s16 =	sadd.s32 $0x800, s19  }
0x4c: {  	[tilespmem:s16], [sflag:$0x1] =	stream.indirect_vreg.gather [hbm:s5], $0x80, v0, vm0, $0x38;
	[tilespmem:$0xC990] =	vst v63  }
0x4d: {  	s16 =	sadd.s32 $0x400, s16  }
0x4e: {  	[tilespmem:s16], [sflag:$0x1] =	stream.indirect_vreg.gather [hbm:s5], $0x80, v0, vm1, $0x38;
	[tilespmem:$0xC990] =	vst v63  }
0x4f: {  	v0 =	vld.msk [tilespmem:s18+$0xC0 ss:$0x1], $0xff;
	_ =	sdelay $0x4  }
0x50: {  	vm2 =	vgt.s32 v0, $0x0  }
0x51: {  	v0 =	vnsel vm2, $0x0, v0  }
0x52: {  	v0 =	vmin.u32 v0, $0x4E1F  }
0x53: {  	v0 =	vshll.u32 v0, $0x4;
	_ =	sdelay $0x3  }
0x54: {  	s31 =	sadd.s32 $0x6190, s17  }
0x55: {  	[tilespmem:s31], [sflag:$0x1] =	stream.indirect_vreg.gather [hbm:s5], $0x80, v0, vm0, $0x38;
	[tilespmem:$0xC990] =	vst v63  }
0x56: {  	s13 =	sshll.u32 s13, $0x4;
	_ =	swait.ge [sflag:s6], $0x6400  }
0x57: {  	s13 =	sadd.s32 s13, s9;
	[sflag:s6] =	ssyncset.done $0x0  }
0x58: {  	s17 =	sadd.s32 $0x0, s13;
	s16 =	simm.s32 $0x80;
	[sflag:s6] =	ssyncadd.s32 $0xFFFF9C00  }
.LBB2_5:
0x59: {  	[hbm:s17] =	stream.linear.scatter [tilespmem:s14], [sflag:$0x3], $0x400, $0x38;
	[tilespmem:$0xC990] =	vst v63  }
0x5a: {  	s17 =	smov.u32 s16;
	s14 =	smov.u32 s15;
	p1 =	sne.s32 s16, $0xC00  }
.Ltmp4:
0x5b: {  	s16 =	sadd.s32 $0x80, s16;
	(pc) =	sbr.rel @p1 .LBB2_5-.Ltmp4, $2  }
0x5c: {  	_ =	sdelay $0x2  }
0x5d: {  	s15 =	sadd.s32 $0x400, s15;
	s17 =	sadd.s32 s17, s13  }
.Ltmp5:
0x5e: {  	_ = 	snop;
	(pc) =	sbr.rel .LBB2_6-.Ltmp5, $1  }
0x5f: {  	_ =	sdelay $0x3  }
.LBB2_8:
0x60: {  	_ =	sfence.sel $0x180000  }
0x61: {  	s1 =	simm.s32 $0x2;
	[bflag:$0x0] =	sbarrier.arrive $0xFFFF  }
0x62: {  	s30 =	simm.s32 $0x3;
	[sflag:s1] =	ssyncpa.u1 $0x1  }
0x63: {  	s31 =	simm.s32 $0x1;
	[sflag:s30] =	ssyncpa.u1 $0x1  }
0x64: {  	[sflag:s31] =	ssyncpa.u1 $0x1  }
0x65: {  	p0 =	sne.s32 s0, $0x0;
	_ =	strace $0x90000047  }
0x66: {  	s0 =	sadd.s32 @!p0 $0x100000, s2;
	[bflag:$0x2] =	sbarrier.arrive $0xFFFF  }
0x67: {  	[sflag:s0] =	ssyncadd.tile.s32 @!p0 $0x1;
	_ =	shalt  }
.Lfunc_end2:
_tile_overlayer_lowered:
.L_overlay_start_2:
0x68: {  	(tag) =	ssettag $0x2  }
0x69: {  	s0 =	rddreg [dreg:$0x0];
	s2 =	stileid.u32  }
0x6a: {  	s1 =	rddreg [dreg:$0x1];
	p0 =	sne.s32 s2, $0x0  }
0x6b: {  	s3 =	rddreg [dreg:$0x2];
	[bflag:$0x3] =	sbarrier.arrive $0xFFFF;
	s2 =	simm.s32 @!p0 $0x1C01  }
0x6c: {  	[timem:s3], [sflag:s2] =	dma.local @!p0 [hbm:s0], s1  }
0x6d: {  	s0 =	simm.s32 @!p0 $0x1  }
0x6e: {  	_ =	swait.ge @!p0 [sflag:s0], s1  }
0x6f: {  	s1 =	ssub.s32 @!p0 $0x0, s1;
	[sflag:s0] =	ssyncset.done @!p0 $0x0  }
0x70: {  	[sflag:s0] =	ssyncadd.s32 @!p0 s1  }
0x71: {  	[bflag:$0x3] =	sbarrier.arrive $0xFFFF  }
0x72: {  	_ =	shalt  }

</sc_bundles>
